<compile_context>
chip_gen: v7x
topology: tpu7x:2x2x1
jax: 0.10.2.dev20260603
libtpu: 0.0.44.dev20260713+nightly
codegen_flags: <defaults>
</compile_context>

<pallas_src>
import functools

import jax
import jax.numpy as jnp
from jax import lax
from jax.experimental import pallas as pl
from jax.experimental.pallas import tpu as pltpu
from jax.experimental.pallas import tpu_sc as plsc

_NC = 2
_NS = 16
_NW = _NC * _NS
_BANDS = 8


def _copy_block(x_ref, o_ref):
    o_ref[...] = x_ref[...]


def _pipelined_copy(x, block_cols):
    rows, cols = x.shape
    return pl.pallas_call(
        _copy_block,
        grid=(pl.cdiv(cols, block_cols),),
        in_specs=[pl.BlockSpec((rows, block_cols), lambda i: (0, i))],
        out_specs=pl.BlockSpec((rows, block_cols), lambda i: (0, i)),
        out_shape=jax.ShapeDtypeStruct(x.shape, x.dtype),
    )(x)


_CW = 1536


def _sc_user_body(cols, u_hbm, u_out, buf):
    w = lax.axis_index("s") * _NC + lax.axis_index("c")
    rows = u_hbm.shape[0]
    n_full = cols // _CW

    def _move(col, width, off=0):
        src = u_hbm.at[:, pl.ds(col, width)]
        dst = u_out.at[:, pl.ds(col, width)]
        stage = buf.at[:, pl.ds(off, width)]
        pltpu.sync_copy(src, stage)
        pltpu.sync_copy(stage, dst)

    for k in range((n_full + _NW - 1) // _NW):
        c = k * _NW + w

        @pl.when(c < n_full)
        def _():
            _move(c * _CW, _CW)

    rem_tiles = (cols - n_full * _CW) // 128

    @pl.when(w == _NW - 1)
    def _():
        if rem_tiles:
            _move(n_full * _CW, rem_tiles * 128)


def _sc_copy(u_t):
    mesh = plsc.VectorSubcoreMesh(core_axis_name="c", subcore_axis_name="s")
    return functools.partial(
        pl.kernel,
        out_type=jax.ShapeDtypeStruct(u_t.shape, u_t.dtype),
        mesh=mesh,
        scratch_types=[
            pltpu.VMEM((u_t.shape[0], _CW), jnp.float32),
        ],
        compiler_params=pltpu.CompilerParams(use_tc_tiling_on_sc=True),
    )(functools.partial(_sc_user_body, u_t.shape[1]))(u_t)


def _patch_block(u_prev_ref, src_ref, out_ref):
    out_ref[...] = src_ref[...]


def _patch_tail(u_sc, u_t, block_cols):
    rows, cols = u_t.shape
    last = cols // block_cols
    spec = pl.BlockSpec((rows, block_cols), lambda i: (0, last))
    return pl.pallas_call(
        _patch_block,
        grid=(1,),
        in_specs=[spec, spec],
        out_specs=spec,
        out_shape=jax.ShapeDtypeStruct(u_t.shape, u_t.dtype),
        input_output_aliases={0: 0},
    )(u_sc, u_t)


def kernel(embedding_user, embedding_item):
    u_t = embedding_user.T
    i_t = embedding_item.T
    u_sc = _sc_copy(u_t)
    i_out = _pipelined_copy(i_t, 32768)
    u_out = _patch_tail(u_sc, u_t, 256)
    return (u_out.T, i_out.T)

# --- scband reference (transcript-rebuilt; emitter-appended) ---
"""Pipeline reference for scband-mfencoder-58909771432120 (READ-ONLY COPY).

The authoritative reference and input builder live on the scoring server;
editing this copy changes nothing except your own understanding.
"""

import jax, jax.numpy as jnp
import numpy as np

N_USERS = 100000
M_ITEMS = 1000000
EMBED_DIM = 64

def setup_inputs(seed: int = 0) -> dict:
    key = jax.random.key(seed)
    k_u, k_i = jax.random.split(key)
    # nn.Embedding default init: N(0, 1)
    embedding_user = jax.random.normal(k_u, (N_USERS, EMBED_DIM), dtype=jnp.float32)
    embedding_item = jax.random.normal(k_i, (M_ITEMS, EMBED_DIM), dtype=jnp.float32)
    return {"embedding_user": embedding_user, "embedding_item": embedding_item}

def reference(embedding_user, embedding_item):
    # MFEncoder.forward() simply returns the two embedding weight matrices.
    return (embedding_user, embedding_item)

if __name__ == "__main__":
    import jax
    _d = setup_inputs()
    print(jax.jit(kernel)(*tuple(_d.values())))

</pallas_src>

<mosaic_0001>
#map = affine_map<(d0, d1) -> (0, 0)>
module attributes {stable_mosaic.version = 14 : i64} {
  func.func @_sc_user_body(%arg0: i32, %arg1: i32, %arg2: memref<64x100000xf32, #tpu.memory_space<hbm>>, %arg3: memref<64x100000xf32, #tpu.memory_space<hbm>>, %arg4: memref<64x1536xf32, #tpu.memory_space<vmem>>) attributes {dimension_semantics = [#tpu.dimension_semantics<core_parallel>, #tpu.dimension_semantics<subcore_parallel>], iteration_bounds = array<i64: 2, 16>, scalar_prefetch = 0 : i64, scratch_operands = 1 : i64, tpu.core_type = #tpu.core_type<sc_vector_subcore>, window_params = [{transform_indices = #map}, {transform_indices = #map}]} {
    %mul3A = arith.constant 2 : i32
    %mul3A_0 = arith.muli %arg1, %mul3A : i32
    %add3A = arith.addi %mul3A_0, %arg0 : i32
    %add3A_1 = arith.constant 0 : i32
    %add3A_2 = arith.addi %add3A_1, %add3A : i32
    %lt3A = arith.constant 65 : i32
    %lt3A_3 = arith.cmpi slt, %add3A_2, %lt3A : i32
    %convert_element_type3A = arith.extui %lt3A_3 : i1 to i32
    %cond3A = arith.constant 0 : i32
    %cond3A_4 = arith.cmpi ne, %convert_element_type3A, %cond3A : i32
    scf.if %cond3A_4 {
      %mul3A_23 = arith.constant 1536 : i32
      %mul3A_24 = arith.muli %add3A_2, %mul3A_23 : i32
      "tpu.region"() ({
        %run_scoped3A = tpu.sem_alloc : memref<!tpu.dma_semaphore, #tpu.memory_space<semaphore_mem>>
        %dma_start3A = arith.constant 0 : i32
        %dma_start3A_25 = arith.constant 0 : i32
        %dma_start3A_26 = tpu.memref_slice %arg4[%dma_start3A, %dma_start3A_25] : memref<64x1536xf32, #tpu.memory_space<vmem>> -> memref<64x1536xf32, #tpu.memory_space<vmem>>
        %dma_start3A_27 = arith.constant 0 : i32
        %dma_start3A_28 = tpu.memref_slice %arg2[%dma_start3A_27, %mul3A_24] : memref<64x100000xf32, #tpu.memory_space<hbm>> -> memref<64x1536xf32, #tpu.memory_space<hbm>>
        %dma_start3A_29 = arith.constant 0 : i32
        %dma_start3A_30 = arith.constant 0 : i32
        %dma_start3A_31 = tpu.memref_slice %arg4[%dma_start3A_29, %dma_start3A_30] : memref<64x1536xf32, #tpu.memory_space<vmem>> -> memref<64x1536xf32, #tpu.memory_space<vmem>>
        %dma_start3A_32 = arith.constant 0 : i32
        %dma_start3A_33 = tpu.memref_slice %arg2[%dma_start3A_32, %mul3A_24] : memref<64x100000xf32, #tpu.memory_space<hbm>> -> memref<64x1536xf32, #tpu.memory_space<hbm>>
        tpu.enqueue_dma source(%dma_start3A_33 : memref<64x1536xf32, #tpu.memory_space<hbm>>) target(%dma_start3A_31 : memref<64x1536xf32, #tpu.memory_space<vmem>>) target_semaphore(%run_scoped3A : memref<!tpu.dma_semaphore, #tpu.memory_space<semaphore_mem>>)
        %dma_wait3A = arith.constant 0 : i32
        %dma_wait3A_34 = arith.constant 0 : i32
        %dma_wait3A_35 = tpu.memref_slice %arg4[%dma_wait3A, %dma_wait3A_34] : memref<64x1536xf32, #tpu.memory_space<vmem>> -> memref<64x1536xf32, #tpu.memory_space<vmem>>
        %dma_wait3A_36 = arith.constant 0 : i32
        %dma_wait3A_37 = tpu.memref_slice %arg2[%dma_wait3A_36, %mul3A_24] : memref<64x100000xf32, #tpu.memory_space<hbm>> -> memref<64x1536xf32, #tpu.memory_space<hbm>>
        %dma_wait3A_38 = arith.constant 0 : i32
        %dma_wait3A_39 = arith.constant 0 : i32
        %dma_wait3A_40 = tpu.memref_slice %arg4[%dma_wait3A_38, %dma_wait3A_39] : memref<64x1536xf32, #tpu.memory_space<vmem>> -> memref<64x1536xf32, #tpu.memory_space<vmem>>
        %dma_wait3A_41 = arith.constant 0 : i32
        %dma_wait3A_42 = tpu.memref_slice %arg2[%dma_wait3A_41, %mul3A_24] : memref<64x100000xf32, #tpu.memory_space<hbm>> -> memref<64x1536xf32, #tpu.memory_space<hbm>>
        tpu.wait_dma2 semaphore(%run_scoped3A : memref<!tpu.dma_semaphore, #tpu.memory_space<semaphore_mem>>) src(%dma_wait3A_42 : memref<64x1536xf32, #tpu.memory_space<hbm>>) dst(%dma_wait3A_40 : memref<64x1536xf32, #tpu.memory_space<vmem>>)
        tpu.yield
      }) : () -> ()
      "tpu.region"() ({
        %run_scoped3A = tpu.sem_alloc : memref<!tpu.dma_semaphore, #tpu.memory_space<semaphore_mem>>
        %dma_start3A = arith.constant 0 : i32
        %dma_start3A_25 = arith.constant 0 : i32
        %dma_start3A_26 = tpu.memref_slice %arg4[%dma_start3A, %dma_start3A_25] : memref<64x1536xf32, #tpu.memory_space<vmem>> -> memref<64x1536xf32, #tpu.memory_space<vmem>>
        %dma_start3A_27 = arith.constant 0 : i32
        %dma_start3A_28 = tpu.memref_slice %arg3[%dma_start3A_27, %mul3A_24] : memref<64x100000xf32, #tpu.memory_space<hbm>> -> memref<64x1536xf32, #tpu.memory_space<hbm>>
        %dma_start3A_29 = arith.constant 0 : i32
        %dma_start3A_30 = tpu.memref_slice %arg3[%dma_start3A_29, %mul3A_24] : memref<64x100000xf32, #tpu.memory_space<hbm>> -> memref<64x1536xf32, #tpu.memory_space<hbm>>
        %dma_start3A_31 = arith.constant 0 : i32
        %dma_start3A_32 = arith.constant 0 : i32
        %dma_start3A_33 = tpu.memref_slice %arg4[%dma_start3A_31, %dma_start3A_32] : memref<64x1536xf32, #tpu.memory_space<vmem>> -> memref<64x1536xf32, #tpu.memory_space<vmem>>
        tpu.enqueue_dma source(%dma_start3A_33 : memref<64x1536xf32, #tpu.memory_space<vmem>>) target(%dma_start3A_30 : memref<64x1536xf32, #tpu.memory_space<hbm>>) target_semaphore(%run_scoped3A : memref<!tpu.dma_semaphore, #tpu.memory_space<semaphore_mem>>)
        %dma_wait3A = arith.constant 0 : i32
        %dma_wait3A_34 = arith.constant 0 : i32
        %dma_wait3A_35 = tpu.memref_slice %arg4[%dma_wait3A, %dma_wait3A_34] : memref<64x1536xf32, #tpu.memory_space<vmem>> -> memref<64x1536xf32, #tpu.memory_space<vmem>>
        %dma_wait3A_36 = arith.constant 0 : i32
        %dma_wait3A_37 = tpu.memref_slice %arg3[%dma_wait3A_36, %mul3A_24] : memref<64x100000xf32, #tpu.memory_space<hbm>> -> memref<64x1536xf32, #tpu.memory_space<hbm>>
        %dma_wait3A_38 = arith.constant 0 : i32
        %dma_wait3A_39 = tpu.memref_slice %arg3[%dma_wait3A_38, %mul3A_24] : memref<64x100000xf32, #tpu.memory_space<hbm>> -> memref<64x1536xf32, #tpu.memory_space<hbm>>
        %dma_wait3A_40 = arith.constant 0 : i32
        %dma_wait3A_41 = arith.constant 0 : i32
        %dma_wait3A_42 = tpu.memref_slice %arg4[%dma_wait3A_40, %dma_wait3A_41] : memref<64x1536xf32, #tpu.memory_space<vmem>> -> memref<64x1536xf32, #tpu.memory_space<vmem>>
        tpu.wait_dma2 semaphore(%run_scoped3A : memref<!tpu.dma_semaphore, #tpu.memory_space<semaphore_mem>>) src(%dma_wait3A_42 : memref<64x1536xf32, #tpu.memory_space<vmem>>) dst(%dma_wait3A_39 : memref<64x1536xf32, #tpu.memory_space<hbm>>)
        tpu.yield
      }) : () -> ()
    } else {
    }
    %add3A_5 = arith.constant 32 : i32
    %add3A_6 = arith.addi %add3A_5, %add3A : i32
    %lt3A_7 = arith.constant 65 : i32
    %lt3A_8 = arith.cmpi slt, %add3A_6, %lt3A_7 : i32
    %convert_element_type3A_9 = arith.extui %lt3A_8 : i1 to i32
    %cond3A_10 = arith.constant 0 : i32
    %cond3A_11 = arith.cmpi ne, %convert_element_type3A_9, %cond3A_10 : i32
    scf.if %cond3A_11 {
      %mul3A_23 = arith.constant 1536 : i32
      %mul3A_24 = arith.muli %add3A_6, %mul3A_23 : i32
      "tpu.region"() ({
        %run_scoped3A = tpu.sem_alloc : memref<!tpu.dma_semaphore, #tpu.memory_space<semaphore_mem>>
        %dma_start3A = arith.constant 0 : i32
        %dma_start3A_25 = arith.constant 0 : i32
        %dma_start3A_26 = tpu.memref_slice %arg4[%dma_start3A, %dma_start3A_25] : memref<64x1536xf32, #tpu.memory_space<vmem>> -> memref<64x1536xf32, #tpu.memory_space<vmem>>
        %dma_start3A_27 = arith.constant 0 : i32
        %dma_start3A_28 = tpu.memref_slice %arg2[%dma_start3A_27, %mul3A_24] : memref<64x100000xf32, #tpu.memory_space<hbm>> -> memref<64x1536xf32, #tpu.memory_space<hbm>>
        %dma_start3A_29 = arith.constant 0 : i32
        %dma_start3A_30 = arith.constant 0 : i32
        %dma_start3A_31 = tpu.memref_slice %arg4[%dma_start3A_29, %dma_start3A_30] : memref<64x1536xf32, #tpu.memory_space<vmem>> -> memref<64x1536xf32, #tpu.memory_space<vmem>>
        %dma_start3A_32 = arith.constant 0 : i32
        %dma_start3A_33 = tpu.memref_slice %arg2[%dma_start3A_32, %mul3A_24] : memref<64x100000xf32, #tpu.memory_space<hbm>> -> memref<64x1536xf32, #tpu.memory_space<hbm>>
        tpu.enqueue_dma source(%dma_start3A_33 : memref<64x1536xf32, #tpu.memory_space<hbm>>) target(%dma_start3A_31 : memref<64x1536xf32, #tpu.memory_space<vmem>>) target_semaphore(%run_scoped3A : memref<!tpu.dma_semaphore, #tpu.memory_space<semaphore_mem>>)
        %dma_wait3A = arith.constant 0 : i32
        %dma_wait3A_34 = arith.constant 0 : i32
        %dma_wait3A_35 = tpu.memref_slice %arg4[%dma_wait3A, %dma_wait3A_34] : memref<64x1536xf32, #tpu.memory_space<vmem>> -> memref<64x1536xf32, #tpu.memory_space<vmem>>
        %dma_wait3A_36 = arith.constant 0 : i32
        %dma_wait3A_37 = tpu.memref_slice %arg2[%dma_wait3A_36, %mul3A_24] : memref<64x100000xf32, #tpu.memory_space<hbm>> -> memref<64x1536xf32, #tpu.memory_space<hbm>>
        %dma_wait3A_38 = arith.constant 0 : i32
        %dma_wait3A_39 = arith.constant 0 : i32
        %dma_wait3A_40 = tpu.memref_slice %arg4[%dma_wait3A_38, %dma_wait3A_39] : memref<64x1536xf32, #tpu.memory_space<vmem>> -> memref<64x1536xf32, #tpu.memory_space<vmem>>
        %dma_wait3A_41 = arith.constant 0 : i32
        %dma_wait3A_42 = tpu.memref_slice %arg2[%dma_wait3A_41, %mul3A_24] : memref<64x100000xf32, #tpu.memory_space<hbm>> -> memref<64x1536xf32, #tpu.memory_space<hbm>>
        tpu.wait_dma2 semaphore(%run_scoped3A : memref<!tpu.dma_semaphore, #tpu.memory_space<semaphore_mem>>) src(%dma_wait3A_42 : memref<64x1536xf32, #tpu.memory_space<hbm>>) dst(%dma_wait3A_40 : memref<64x1536xf32, #tpu.memory_space<vmem>>)
        tpu.yield
      }) : () -> ()
      "tpu.region"() ({
        %run_scoped3A = tpu.sem_alloc : memref<!tpu.dma_semaphore, #tpu.memory_space<semaphore_mem>>
        %dma_start3A = arith.constant 0 : i32
        %dma_start3A_25 = arith.constant 0 : i32
        %dma_start3A_26 = tpu.memref_slice %arg4[%dma_start3A, %dma_start3A_25] : memref<64x1536xf32, #tpu.memory_space<vmem>> -> memref<64x1536xf32, #tpu.memory_space<vmem>>
        %dma_start3A_27 = arith.constant 0 : i32
        %dma_start3A_28 = tpu.memref_slice %arg3[%dma_start3A_27, %mul3A_24] : memref<64x100000xf32, #tpu.memory_space<hbm>> -> memref<64x1536xf32, #tpu.memory_space<hbm>>
        %dma_start3A_29 = arith.constant 0 : i32
        %dma_start3A_30 = tpu.memref_slice %arg3[%dma_start3A_29, %mul3A_24] : memref<64x100000xf32, #tpu.memory_space<hbm>> -> memref<64x1536xf32, #tpu.memory_space<hbm>>
        %dma_start3A_31 = arith.constant 0 : i32
        %dma_start3A_32 = arith.constant 0 : i32
        %dma_start3A_33 = tpu.memref_slice %arg4[%dma_start3A_31, %dma_start3A_32] : memref<64x1536xf32, #tpu.memory_space<vmem>> -> memref<64x1536xf32, #tpu.memory_space<vmem>>
        tpu.enqueue_dma source(%dma_start3A_33 : memref<64x1536xf32, #tpu.memory_space<vmem>>) target(%dma_start3A_30 : memref<64x1536xf32, #tpu.memory_space<hbm>>) target_semaphore(%run_scoped3A : memref<!tpu.dma_semaphore, #tpu.memory_space<semaphore_mem>>)
        %dma_wait3A = arith.constant 0 : i32
        %dma_wait3A_34 = arith.constant 0 : i32
        %dma_wait3A_35 = tpu.memref_slice %arg4[%dma_wait3A, %dma_wait3A_34] : memref<64x1536xf32, #tpu.memory_space<vmem>> -> memref<64x1536xf32, #tpu.memory_space<vmem>>
        %dma_wait3A_36 = arith.constant 0 : i32
        %dma_wait3A_37 = tpu.memref_slice %arg3[%dma_wait3A_36, %mul3A_24] : memref<64x100000xf32, #tpu.memory_space<hbm>> -> memref<64x1536xf32, #tpu.memory_space<hbm>>
        %dma_wait3A_38 = arith.constant 0 : i32
        %dma_wait3A_39 = tpu.memref_slice %arg3[%dma_wait3A_38, %mul3A_24] : memref<64x100000xf32, #tpu.memory_space<hbm>> -> memref<64x1536xf32, #tpu.memory_space<hbm>>
        %dma_wait3A_40 = arith.constant 0 : i32
        %dma_wait3A_41 = arith.constant 0 : i32
        %dma_wait3A_42 = tpu.memref_slice %arg4[%dma_wait3A_40, %dma_wait3A_41] : memref<64x1536xf32, #tpu.memory_space<vmem>> -> memref<64x1536xf32, #tpu.memory_space<vmem>>
        tpu.wait_dma2 semaphore(%run_scoped3A : memref<!tpu.dma_semaphore, #tpu.memory_space<semaphore_mem>>) src(%dma_wait3A_42 : memref<64x1536xf32, #tpu.memory_space<vmem>>) dst(%dma_wait3A_39 : memref<64x1536xf32, #tpu.memory_space<hbm>>)
        tpu.yield
      }) : () -> ()
    } else {
    }
    %add3A_12 = arith.constant 64 : i32
    %add3A_13 = arith.addi %add3A_12, %add3A : i32
    %lt3A_14 = arith.constant 65 : i32
    %lt3A_15 = arith.cmpi slt, %add3A_13, %lt3A_14 : i32
    %convert_element_type3A_16 = arith.extui %lt3A_15 : i1 to i32
    %cond3A_17 = arith.constant 0 : i32
    %cond3A_18 = arith.cmpi ne, %convert_element_type3A_16, %cond3A_17 : i32
    scf.if %cond3A_18 {
      %mul3A_23 = arith.constant 1536 : i32
      %mul3A_24 = arith.muli %add3A_13, %mul3A_23 : i32
      "tpu.region"() ({
        %run_scoped3A = tpu.sem_alloc : memref<!tpu.dma_semaphore, #tpu.memory_space<semaphore_mem>>
        %dma_start3A = arith.constant 0 : i32
        %dma_start3A_25 = arith.constant 0 : i32
        %dma_start3A_26 = tpu.memref_slice %arg4[%dma_start3A, %dma_start3A_25] : memref<64x1536xf32, #tpu.memory_space<vmem>> -> memref<64x1536xf32, #tpu.memory_space<vmem>>
        %dma_start3A_27 = arith.constant 0 : i32
        %dma_start3A_28 = tpu.memref_slice %arg2[%dma_start3A_27, %mul3A_24] : memref<64x100000xf32, #tpu.memory_space<hbm>> -> memref<64x1536xf32, #tpu.memory_space<hbm>>
        %dma_start3A_29 = arith.constant 0 : i32
        %dma_start3A_30 = arith.constant 0 : i32
        %dma_start3A_31 = tpu.memref_slice %arg4[%dma_start3A_29, %dma_start3A_30] : memref<64x1536xf32, #tpu.memory_space<vmem>> -> memref<64x1536xf32, #tpu.memory_space<vmem>>
        %dma_start3A_32 = arith.constant 0 : i32
        %dma_start3A_33 = tpu.memref_slice %arg2[%dma_start3A_32, %mul3A_24] : memref<64x100000xf32, #tpu.memory_space<hbm>> -> memref<64x1536xf32, #tpu.memory_space<hbm>>
        tpu.enqueue_dma source(%dma_start3A_33 : memref<64x1536xf32, #tpu.memory_space<hbm>>) target(%dma_start3A_31 : memref<64x1536xf32, #tpu.memory_space<vmem>>) target_semaphore(%run_scoped3A : memref<!tpu.dma_semaphore, #tpu.memory_space<semaphore_mem>>)
        %dma_wait3A = arith.constant 0 : i32
        %dma_wait3A_34 = arith.constant 0 : i32
        %dma_wait3A_35 = tpu.memref_slice %arg4[%dma_wait3A, %dma_wait3A_34] : memref<64x1536xf32, #tpu.memory_space<vmem>> -> memref<64x1536xf32, #tpu.memory_space<vmem>>
        %dma_wait3A_36 = arith.constant 0 : i32
        %dma_wait3A_37 = tpu.memref_slice %arg2[%dma_wait3A_36, %mul3A_24] : memref<64x100000xf32, #tpu.memory_space<hbm>> -> memref<64x1536xf32, #tpu.memory_space<hbm>>
        %dma_wait3A_38 = arith.constant 0 : i32
        %dma_wait3A_39 = arith.constant 0 : i32
        %dma_wait3A_40 = tpu.memref_slice %arg4[%dma_wait3A_38, %dma_wait3A_39] : memref<64x1536xf32, #tpu.memory_space<vmem>> -> memref<64x1536xf32, #tpu.memory_space<vmem>>
        %dma_wait3A_41 = arith.constant 0 : i32
        %dma_wait3A_42 = tpu.memref_slice %arg2[%dma_wait3A_41, %mul3A_24] : memref<64x100000xf32, #tpu.memory_space<hbm>> -> memref<64x1536xf32, #tpu.memory_space<hbm>>
        tpu.wait_dma2 semaphore(%run_scoped3A : memref<!tpu.dma_semaphore, #tpu.memory_space<semaphore_mem>>) src(%dma_wait3A_42 : memref<64x1536xf32, #tpu.memory_space<hbm>>) dst(%dma_wait3A_40 : memref<64x1536xf32, #tpu.memory_space<vmem>>)
        tpu.yield
      }) : () -> ()
      "tpu.region"() ({
        %run_scoped3A = tpu.sem_alloc : memref<!tpu.dma_semaphore, #tpu.memory_space<semaphore_mem>>
        %dma_start3A = arith.constant 0 : i32
        %dma_start3A_25 = arith.constant 0 : i32
        %dma_start3A_26 = tpu.memref_slice %arg4[%dma_start3A, %dma_start3A_25] : memref<64x1536xf32, #tpu.memory_space<vmem>> -> memref<64x1536xf32, #tpu.memory_space<vmem>>
        %dma_start3A_27 = arith.constant 0 : i32
        %dma_start3A_28 = tpu.memref_slice %arg3[%dma_start3A_27, %mul3A_24] : memref<64x100000xf32, #tpu.memory_space<hbm>> -> memref<64x1536xf32, #tpu.memory_space<hbm>>
        %dma_start3A_29 = arith.constant 0 : i32
        %dma_start3A_30 = tpu.memref_slice %arg3[%dma_start3A_29, %mul3A_24] : memref<64x100000xf32, #tpu.memory_space<hbm>> -> memref<64x1536xf32, #tpu.memory_space<hbm>>
        %dma_start3A_31 = arith.constant 0 : i32
        %dma_start3A_32 = arith.constant 0 : i32
        %dma_start3A_33 = tpu.memref_slice %arg4[%dma_start3A_31, %dma_start3A_32] : memref<64x1536xf32, #tpu.memory_space<vmem>> -> memref<64x1536xf32, #tpu.memory_space<vmem>>
        tpu.enqueue_dma source(%dma_start3A_33 : memref<64x1536xf32, #tpu.memory_space<vmem>>) target(%dma_start3A_30 : memref<64x1536xf32, #tpu.memory_space<hbm>>) target_semaphore(%run_scoped3A : memref<!tpu.dma_semaphore, #tpu.memory_space<semaphore_mem>>)
        %dma_wait3A = arith.constant 0 : i32
        %dma_wait3A_34 = arith.constant 0 : i32
        %dma_wait3A_35 = tpu.memref_slice %arg4[%dma_wait3A, %dma_wait3A_34] : memref<64x1536xf32, #tpu.memory_space<vmem>> -> memref<64x1536xf32, #tpu.memory_space<vmem>>
        %dma_wait3A_36 = arith.constant 0 : i32
        %dma_wait3A_37 = tpu.memref_slice %arg3[%dma_wait3A_36, %mul3A_24] : memref<64x100000xf32, #tpu.memory_space<hbm>> -> memref<64x1536xf32, #tpu.memory_space<hbm>>
        %dma_wait3A_38 = arith.constant 0 : i32
        %dma_wait3A_39 = tpu.memref_slice %arg3[%dma_wait3A_38, %mul3A_24] : memref<64x100000xf32, #tpu.memory_space<hbm>> -> memref<64x1536xf32, #tpu.memory_space<hbm>>
        %dma_wait3A_40 = arith.constant 0 : i32
        %dma_wait3A_41 = arith.constant 0 : i32
        %dma_wait3A_42 = tpu.memref_slice %arg4[%dma_wait3A_40, %dma_wait3A_41] : memref<64x1536xf32, #tpu.memory_space<vmem>> -> memref<64x1536xf32, #tpu.memory_space<vmem>>
        tpu.wait_dma2 semaphore(%run_scoped3A : memref<!tpu.dma_semaphore, #tpu.memory_space<semaphore_mem>>) src(%dma_wait3A_42 : memref<64x1536xf32, #tpu.memory_space<vmem>>) dst(%dma_wait3A_39 : memref<64x1536xf32, #tpu.memory_space<hbm>>)
        tpu.yield
      }) : () -> ()
    } else {
    }
    %eq3A = arith.constant 31 : i32
    %eq3A_19 = arith.cmpi eq, %add3A, %eq3A : i32
    %convert_element_type3A_20 = arith.extui %eq3A_19 : i1 to i32
    %cond3A_21 = arith.constant 0 : i32
    %cond3A_22 = arith.cmpi ne, %convert_element_type3A_20, %cond3A_21 : i32
    scf.if %cond3A_22 {
      "tpu.region"() ({
        %run_scoped3A = tpu.sem_alloc : memref<!tpu.dma_semaphore, #tpu.memory_space<semaphore_mem>>
        %dma_start3A = arith.constant 0 : i32
        %dma_start3A_23 = arith.constant 0 : i32
        %dma_start3A_24 = tpu.memref_slice %arg4[%dma_start3A, %dma_start3A_23] : memref<64x1536xf32, #tpu.memory_space<vmem>> -> memref<64x128xf32, #tpu.memory_space<vmem>>
        %dma_start3A_25 = arith.constant 0 : i32
        %dma_start3A_26 = arith.constant 99840 : i32
        %dma_start3A_27 = tpu.memref_slice %arg2[%dma_start3A_25, %dma_start3A_26] : memref<64x100000xf32, #tpu.memory_space<hbm>> -> memref<64x128xf32, #tpu.memory_space<hbm>>
        %dma_start3A_28 = arith.constant 0 : i32
        %dma_start3A_29 = arith.constant 0 : i32
        %dma_start3A_30 = tpu.memref_slice %arg4[%dma_start3A_28, %dma_start3A_29] : memref<64x1536xf32, #tpu.memory_space<vmem>> -> memref<64x128xf32, #tpu.memory_space<vmem>>
        %dma_start3A_31 = arith.constant 0 : i32
        %dma_start3A_32 = arith.constant 99840 : i32
        %dma_start3A_33 = tpu.memref_slice %arg2[%dma_start3A_31, %dma_start3A_32] : memref<64x100000xf32, #tpu.memory_space<hbm>> -> memref<64x128xf32, #tpu.memory_space<hbm>>
        tpu.enqueue_dma source(%dma_start3A_33 : memref<64x128xf32, #tpu.memory_space<hbm>>) target(%dma_start3A_30 : memref<64x128xf32, #tpu.memory_space<vmem>>) target_semaphore(%run_scoped3A : memref<!tpu.dma_semaphore, #tpu.memory_space<semaphore_mem>>)
        %dma_wait3A = arith.constant 0 : i32
        %dma_wait3A_34 = arith.constant 0 : i32
        %dma_wait3A_35 = tpu.memref_slice %arg4[%dma_wait3A, %dma_wait3A_34] : memref<64x1536xf32, #tpu.memory_space<vmem>> -> memref<64x128xf32, #tpu.memory_space<vmem>>
        %dma_wait3A_36 = arith.constant 0 : i32
        %dma_wait3A_37 = arith.constant 99840 : i32
        %dma_wait3A_38 = tpu.memref_slice %arg2[%dma_wait3A_36, %dma_wait3A_37] : memref<64x100000xf32, #tpu.memory_space<hbm>> -> memref<64x128xf32, #tpu.memory_space<hbm>>
        %dma_wait3A_39 = arith.constant 0 : i32
        %dma_wait3A_40 = arith.constant 0 : i32
        %dma_wait3A_41 = tpu.memref_slice %arg4[%dma_wait3A_39, %dma_wait3A_40] : memref<64x1536xf32, #tpu.memory_space<vmem>> -> memref<64x128xf32, #tpu.memory_space<vmem>>
        %dma_wait3A_42 = arith.constant 0 : i32
        %dma_wait3A_43 = arith.constant 99840 : i32
        %dma_wait3A_44 = tpu.memref_slice %arg2[%dma_wait3A_42, %dma_wait3A_43] : memref<64x100000xf32, #tpu.memory_space<hbm>> -> memref<64x128xf32, #tpu.memory_space<hbm>>
        tpu.wait_dma2 semaphore(%run_scoped3A : memref<!tpu.dma_semaphore, #tpu.memory_space<semaphore_mem>>) src(%dma_wait3A_44 : memref<64x128xf32, #tpu.memory_space<hbm>>) dst(%dma_wait3A_41 : memref<64x128xf32, #tpu.memory_space<vmem>>)
        tpu.yield
      }) : () -> ()
      "tpu.region"() ({
        %run_scoped3A = tpu.sem_alloc : memref<!tpu.dma_semaphore, #tpu.memory_space<semaphore_mem>>
        %dma_start3A = arith.constant 0 : i32
        %dma_start3A_23 = arith.constant 0 : i32
        %dma_start3A_24 = tpu.memref_slice %arg4[%dma_start3A, %dma_start3A_23] : memref<64x1536xf32, #tpu.memory_space<vmem>> -> memref<64x128xf32, #tpu.memory_space<vmem>>
        %dma_start3A_25 = arith.constant 0 : i32
        %dma_start3A_26 = arith.constant 99840 : i32
        %dma_start3A_27 = tpu.memref_slice %arg3[%dma_start3A_25, %dma_start3A_26] : memref<64x100000xf32, #tpu.memory_space<hbm>> -> memref<64x128xf32, #tpu.memory_space<hbm>>
        %dma_start3A_28 = arith.constant 0 : i32
        %dma_start3A_29 = arith.constant 99840 : i32
        %dma_start3A_30 = tpu.memref_slice %arg3[%dma_start3A_28, %dma_start3A_29] : memref<64x100000xf32, #tpu.memory_space<hbm>> -> memref<64x128xf32, #tpu.memory_space<hbm>>
        %dma_start3A_31 = arith.constant 0 : i32
        %dma_start3A_32 = arith.constant 0 : i32
        %dma_start3A_33 = tpu.memref_slice %arg4[%dma_start3A_31, %dma_start3A_32] : memref<64x1536xf32, #tpu.memory_space<vmem>> -> memref<64x128xf32, #tpu.memory_space<vmem>>
        tpu.enqueue_dma source(%dma_start3A_33 : memref<64x128xf32, #tpu.memory_space<vmem>>) target(%dma_start3A_30 : memref<64x128xf32, #tpu.memory_space<hbm>>) target_semaphore(%run_scoped3A : memref<!tpu.dma_semaphore, #tpu.memory_space<semaphore_mem>>)
        %dma_wait3A = arith.constant 0 : i32
        %dma_wait3A_34 = arith.constant 0 : i32
        %dma_wait3A_35 = tpu.memref_slice %arg4[%dma_wait3A, %dma_wait3A_34] : memref<64x1536xf32, #tpu.memory_space<vmem>> -> memref<64x128xf32, #tpu.memory_space<vmem>>
        %dma_wait3A_36 = arith.constant 0 : i32
        %dma_wait3A_37 = arith.constant 99840 : i32
        %dma_wait3A_38 = tpu.memref_slice %arg3[%dma_wait3A_36, %dma_wait3A_37] : memref<64x100000xf32, #tpu.memory_space<hbm>> -> memref<64x128xf32, #tpu.memory_space<hbm>>
        %dma_wait3A_39 = arith.constant 0 : i32
        %dma_wait3A_40 = arith.constant 99840 : i32
        %dma_wait3A_41 = tpu.memref_slice %arg3[%dma_wait3A_39, %dma_wait3A_40] : memref<64x100000xf32, #tpu.memory_space<hbm>> -> memref<64x128xf32, #tpu.memory_space<hbm>>
        %dma_wait3A_42 = arith.constant 0 : i32
        %dma_wait3A_43 = arith.constant 0 : i32
        %dma_wait3A_44 = tpu.memref_slice %arg4[%dma_wait3A_42, %dma_wait3A_43] : memref<64x1536xf32, #tpu.memory_space<vmem>> -> memref<64x128xf32, #tpu.memory_space<vmem>>
        tpu.wait_dma2 semaphore(%run_scoped3A : memref<!tpu.dma_semaphore, #tpu.memory_space<semaphore_mem>>) src(%dma_wait3A_44 : memref<64x128xf32, #tpu.memory_space<vmem>>) dst(%dma_wait3A_41 : memref<64x128xf32, #tpu.memory_space<hbm>>)
        tpu.yield
      }) : () -> ()
    } else {
    }
    return
  }
}

module attributes {stable_mosaic.version = 14 : i64} {
  func.func @_patch_block(%arg0: i32, %arg1: memref<64x256xf32, #tpu.memory_space<vmem>>, %arg2: memref<64x256xf32, #tpu.memory_space<vmem>>, %arg3: memref<64x256xf32, #tpu.memory_space<vmem>>) attributes {dimension_semantics = [#tpu.dimension_semantics<arbitrary>], iteration_bounds = array<i64: 1>, scalar_prefetch = 0 : i64, scratch_operands = 0 : i64, tpu.core_type = #tpu.core_type<tc>, window_params = [{transform_indices = @transform_0, window_bounds = array<i64: 64, 256>}, {transform_indices = @transform_1, window_bounds = array<i64: 64, 256>}, {transform_indices = @transform_2, window_bounds = array<i64: 64, 256>}]} {
    %get3A = arith.constant 0 : index
    %get3A_0 = arith.constant 0 : index
    %get3A_1 = vector.load %arg2[%get3A, %get3A_0] : memref<64x256xf32, #tpu.memory_space<vmem>>, vector<64x256xf32>
    %swap3A = arith.constant 0 : index
    %swap3A_2 = arith.constant 0 : index
    %swap3A_3 = vector.load %arg3[%swap3A, %swap3A_2] : memref<64x256xf32, #tpu.memory_space<vmem>>, vector<64x256xf32>
    tpu.vector_store %arg3[%swap3A, %swap3A_2], %get3A_1 {strides = array<i32>} : memref<64x256xf32, #tpu.memory_space<vmem>>, vector<64x256xf32>,
    return
  }
  func.func @transform_0(%arg0: i32) -> (i32, i32) {
    %c0_i32 = arith.constant 0 : i32
    %c390_i32 = arith.constant 390 : i32
    %c0_i32_0 = arith.constant 0 : i32
    return %c0_i32, %c390_i32 : i32, i32
  }
  func.func @transform_1(%arg0: i32) -> (i32, i32) {
    %c0_i32 = arith.constant 0 : i32
    %c390_i32 = arith.constant 390 : i32
    %c0_i32_0 = arith.constant 0 : i32
    return %c0_i32, %c390_i32 : i32, i32
  }
  func.func @transform_2(%arg0: i32) -> (i32, i32) {
    %c0_i32 = arith.constant 0 : i32
    %c390_i32 = arith.constant 390 : i32
    %c0_i32_0 = arith.constant 0 : i32
    return %c0_i32, %c390_i32 : i32, i32
  }
}

module attributes {stable_mosaic.version = 14 : i64} {
  func.func @_copy_block(%arg0: i32, %arg1: memref<64x32768xf32, #tpu.memory_space<vmem>>, %arg2: memref<64x32768xf32, #tpu.memory_space<vmem>>) attributes {dimension_semantics = [#tpu.dimension_semantics<arbitrary>], iteration_bounds = array<i64: 31>, scalar_prefetch = 0 : i64, scratch_operands = 0 : i64, tpu.core_type = #tpu.core_type<tc>, window_params = [{transform_indices = @transform_0, window_bounds = array<i64: 64, 32768>}, {transform_indices = @transform_1, window_bounds = array<i64: 64, 32768>}]} {
    %get3A = arith.constant 0 : index
    %get3A_0 = arith.constant 0 : index
    %get3A_1 = vector.load %arg1[%get3A, %get3A_0] : memref<64x32768xf32, #tpu.memory_space<vmem>>, vector<64x32768xf32>
    %swap3A = arith.constant 0 : index
    %swap3A_2 = arith.constant 0 : index
    %swap3A_3 = vector.load %arg2[%swap3A, %swap3A_2] : memref<64x32768xf32, #tpu.memory_space<vmem>>, vector<64x32768xf32>
    tpu.vector_store %arg2[%swap3A, %swap3A_2], %get3A_1 {strides = array<i32>} : memref<64x32768xf32, #tpu.memory_space<vmem>>, vector<64x32768xf32>,
    return
  }
  func.func @transform_0(%arg0: i32) -> (i32, i32) {
    %c0_i32 = arith.constant 0 : i32
    %c0_i32_0 = arith.constant 0 : i32
    return %c0_i32, %arg0 : i32, i32
  }
  func.func @transform_1(%arg0: i32) -> (i32, i32) {
    %c0_i32 = arith.constant 0 : i32
    %c0_i32_0 = arith.constant 0 : i32
    return %c0_i32, %arg0 : i32, i32
  }
}

</mosaic_0001>

<sc_bundles>
// kernel: kernel.5.cloned.1.call-start
scs
__scs_entry_jumppad:
0x0: {  	(pc) =	sbr.rel $0x88, $3  }
0x1: {  	(tag) =	ssettag $0x0;
	lr =	simm.s32 $0x1  }
0x2: {  	[smem:$0x3F9F] =	sst lr;
	_ =	strace $0xD0000000  }
0x3: {  	_ = 	snop  }
0x4: {  	_ = 	snop  }
0x5: {  	_ = 	snop  }
0x6: {  	_ = 	snop  }
0x7: {  	_ = 	snop  }
__scs_overlays_trampoline_lowered:
0x8: {  	[smem:$0x3FAE] =	sst s0  }
0x9: {  	[smem:$0x3FAF] =	sst s1  }
0xa: {  	[smem:$0x3FB0] =	sst s2  }
0xb: {  	[smem:$0x3FB1] =	sst s3  }
0xc: {  	[smem:$0x3FB2] =	sst s4  }
0xd: {  	[smem:$0x3FB3] =	sst s5  }
0xe: {  	[smem:$0x3FB4] =	sst s6  }
0xf: {  	[smem:$0x3FB5] =	sst s7  }
0x10: {  	[smem:$0x3FB6] =	sst s8  }
0x11: {  	[smem:$0x3FB7] =	sst s9;
	s0 =	simm.s32 @!p0 $0x0  }
0x12: {  	s1 =	sld [smem:$0x3F9D];
	s0 =	simm.s32 @p0 $0x1  }
0x13: {  	[smem:$0x3FB8] =	sst s0;
	s0 =	simm.s32 @!p1 $0x0  }
0x14: {  	s2 =	sld [smem:$0x3F9C];
	s0 =	simm.s32 @p1 $0x1  }
0x15: {  	[smem:$0x3FB9] =	sst s0;
	s0 =	simm.s32 @!p2 $0x0  }
0x16: {  	s3 =	sld [smem:$0x3FDB];
	s0 =	simm.s32 @p2 $0x1  }
0x17: {  	s4 =	simm.s32 $0x1BF5;
	[smem:$0x3FBB] =	sst s0  }
0x18: {  	s0 =	sld [smem:$0x3F9E];
	_ =	swait.ge [sflag:s4], $0x0  }
0x19: {  	s7 =	sld [smem:$0x3F9F]  }
0x1a: {  	s8 =	sadd.s32 $0xFFFFE003, lr  }
0x1b: {  	s9 =	sadd.s32 $0xFFFFFEF7, lr;
	s5 =	simm.s32 $0xFFFFFFFF;
	p2 =	slt.u32 s8, $0xFFFFF086  }
0x1c: {  	p1 =	slt.u32 s9, $0xF7A;
	s5 =	simm.s32 @!p2 $0x0  }
0x1d: {  	s5 =	simm.s32 @p1 $0x1;
	p0 =	seq.s32 s7, s2  }
0x1e: {  	s7 =	smul.u32 @!p0 $0xF7A, s2;
	p2 =	seq.s32 @!p0 s5, $0x0  }
0x1f: {  	s9 =	smul.u32 $0xF7A, s1;
	s8 =	simm.s32 @!p0 $0x1BF5;
	p2 =	por !p2, p0  }
0x20: {  	[sflag:s8] =	ssyncset.s32 @!p0 $0xFFFFF086;
	s6 =	sadd.s32 @!p0 s3, s7;
	s7 =	simm.s32 @!p0 $0x108  }
0x21: {  	s3 =	sadd.s32 s3, s9;
	s6 =	sadd.s32 @!p0 $0x88, s6;
	s7 =	simm.s32 @p2 $0x1082  }
0x22: {  	[simem:s7], [sflag:s8] =	dma.local @!p0 [hbm:s6], $0xF7A  }
0x23: {  	s9 =	sor.u32 $0xD0000000, s2;
	s6 =	simm.s32 $0x108;
	_ =	swait.ge @!p0 [sflag:s8], $0x0  }
0x24: {  	s3 =	sadd.s32 $0x88, s3;
	s6 =	simm.s32 @!p1 $0x1082;
	[sflag:s4] =	ssyncset.s32 $0xFFFFF086  }
0x25: {  	[simem:s6], [sflag:s4] =	dma.local [hbm:s3], $0xF7A  }
0x26: {  	[smem:$0x3F9F] =	sst s1;
	(tag) =	ssettag s2;
	_ =	strace s9  }
0x27: {  	s1 =	sld [smem:$0x3FAF]  }
0x28: {  	s2 =	sld [smem:$0x3FB0]  }
0x29: {  	s4 =	sld [smem:$0x3FB2]  }
0x2a: {  	p0 =	seq.s32 s5, $0x0;
	s5 =	sld [smem:$0x3FB3]  }
0x2b: {  	s6 =	sld [smem:$0x3FB4]  }
0x2c: {  	s7 =	sld [smem:$0x3FB5]  }
0x2d: {  	s3 =	simm.s32 $0x108;
	s8 =	sld [smem:$0x3FB6]  }
0x2e: {  	s3 =	simm.s32 @!p0 $0x1082;
	s9 =	sld [smem:$0x3FB7]  }
0x2f: {  	lr =	sadd.s32 s0, s3;
	s0 =	sld [smem:$0x3FAE]  }
0x30: {  	s3 =	sld [smem:$0x3FB1]  }
0x31: {  	[smem:$0x3FBA] =	sst s10  }
0x32: {  	s10 =	sld [smem:$0x3FB8];
	_ =	sdelay $0x3  }
0x33: {  	p0 =	seq.s32 s10, $0x1;
	s10 =	sld [smem:$0x3FBA];
	_ =	sdelay $0x3  }
0x34: {  	[smem:$0x3FBA] =	sst s10  }
0x35: {  	s10 =	sld [smem:$0x3FB9];
	_ =	sdelay $0x3  }
0x36: {  	p1 =	seq.s32 s10, $0x1;
	s10 =	sld [smem:$0x3FBA];
	_ =	sdelay $0x3  }
0x37: {  	[smem:$0x3FBA] =	sst s10  }
0x38: {  	s10 =	sld [smem:$0x3FBB]  }
0x39: {  	_ = 	snop;
	(pc) =	sbr.ind lr, $3  }
0x3a: {  	_ = 	snop  }
0x3b: {  	_ = 	snop  }
0x3c: {  	p2 =	seq.s32 s10, $0x1;
	s10 =	sld [smem:$0x3FBA]  }
0x3d: {  	_ =	shalt  }
0x3e: {  	_ =	shalt  }
0x3f: {  	_ =	shalt  }
0x40: {  	_ =	shalt  }
0x41: {  	_ =	shalt  }
0x42: {  	_ =	shalt  }
0x43: {  	_ =	shalt  }
0x44: {  	_ =	shalt  }
0x45: {  	_ =	shalt  }
0x46: {  	_ =	shalt  }
0x47: {  	_ =	shalt  }
0x48: {  	_ =	shalt  }
0x49: {  	_ =	shalt  }
0x4a: {  	_ =	shalt  }
0x4b: {  	_ =	shalt  }
0x4c: {  	_ =	shalt  }
0x4d: {  	_ =	shalt  }
0x4e: {  	_ =	shalt  }
0x4f: {  	_ =	shalt  }
0x50: {  	_ =	shalt  }
0x51: {  	_ =	shalt  }
0x52: {  	_ =	shalt  }
0x53: {  	_ =	shalt  }
0x54: {  	_ =	shalt  }
0x55: {  	_ =	shalt  }
0x56: {  	_ =	shalt  }
0x57: {  	_ =	shalt  }
0x58: {  	_ =	shalt  }
0x59: {  	_ =	shalt  }
0x5a: {  	_ =	shalt  }
0x5b: {  	_ =	shalt  }
0x5c: {  	_ =	shalt  }
0x5d: {  	_ =	shalt  }
0x5e: {  	_ =	shalt  }
0x5f: {  	_ =	shalt  }
0x60: {  	_ =	shalt  }
0x61: {  	_ =	shalt  }
0x62: {  	_ =	shalt  }
0x63: {  	_ =	shalt  }
0x64: {  	_ =	shalt  }
0x65: {  	_ =	shalt  }
0x66: {  	_ =	shalt  }
0x67: {  	_ =	shalt  }
0x68: {  	_ =	shalt  }
0x69: {  	_ =	shalt  }
0x6a: {  	_ =	shalt  }
0x6b: {  	_ =	shalt  }
0x6c: {  	_ =	shalt  }
0x6d: {  	_ =	shalt  }
0x6e: {  	_ =	shalt  }
0x6f: {  	_ =	shalt  }
0x70: {  	_ =	shalt  }
0x71: {  	_ =	shalt  }
0x72: {  	_ =	shalt  }
0x73: {  	_ =	shalt  }
0x74: {  	_ =	shalt  }
0x75: {  	_ =	shalt  }
0x76: {  	_ =	shalt  }
0x77: {  	_ =	shalt  }
0x78: {  	_ =	shalt  }
0x79: {  	_ =	shalt  }
0x7a: {  	_ =	shalt  }
0x7b: {  	_ =	shalt  }
0x7c: {  	_ =	shalt  }
0x7d: {  	_ =	shalt  }
0x7e: {  	_ =	shalt  }
0x7f: {  	_ =	shalt  }
0x80: {  	_ =	shalt  }
0x81: {  	_ =	shalt  }
0x82: {  	_ =	shalt  }
0x83: {  	_ =	shalt  }
0x84: {  	_ =	shalt  }
0x85: {  	_ =	shalt  }
0x86: {  	_ =	shalt  }
0x87: {  	_ =	shalt  }
.Lfunc_end0:
.L_simem_size_0:
called_computation_lowered:
.L_overlay_start_0:
0x88: {  	s2 =	sld [smem:$0x3FD9]  }
0x89: {  	s3 =	sld [smem:$0x3FFE];
	_ =	sdelay $0x1  }
0x8a: {  	s1 =	srdreg.scid  }
0x8b: {  	s0 =	sand.u32 $0x1, s1  }
0x8c: {  	s15 =	sshll.u32 s0, $0xA;
	s2 =	sadd.s32 s3, s2  }
0x8d: {  	s2 =	sadd.s32 s2, s15  }
0x8e: {  	[smem:$0x3FC6] =	sst s2  }
0x8f: {  	_ = 	snop  }
0x90: {  	s2 =	sld [smem:$0x3FD0];
	_ =	sdelay $0x2  }
0x91: {  	s4 =	simm.s32 $0xA;
	s5 =	simm.s32 $0x10;
	s16 =	sld [smem:$0x3FC9]  }
0x92: {  	[smem:s5], [sflag:s4] =	dma.local [hbm:s2], $0x1  }
0x93: {  	_ =	swait.eq [sflag:s4], $0x1  }
0x94: {  	[sflag:s4] =	ssyncset.done $0x0  }
0x95: {  	[sflag:s4] =	ssyncadd.s32 $0xFFFFFFFF  }
0x96: {  	s17 =	sld [smem:$0x10];
	(tm) =	ssettm $0x1  }
0x97: {  	s18 =	sld [smem:$0x3FFB];
	_ =	sdelay $0x3  }
0x98: {  	_ =	strace s18  }
0x99: {  	s4 =	sld [smem:$0x3FFC];
	_ =	sdelay $0x3  }
0x9a: {  	_ =	strace s4  }
0x9b: {  	s4 =	sld [smem:$0x3FFD];
	_ =	sdelay $0x3  }
0x9c: {  	_ =	strace s4  }
0x9d: {  	_ =	strace $0x8FFFFFFF  }
0x9e: {  	s19 =	sld [smem:$0x3FDB];
	_ =	sdelay $0x1  }
0x9f: {  	s20 =	simm.s32 $_scs_section_size  }
0xa0: {  	s6 =	simm.s32 $_size__tile_overlayer_lowered;
	s7 =	simm.s32 $_tile_overlayer_lowered  }
0xa1: {  	s23 =	simm.s32 $0x1BFF;
	s22 =	sshll.u32 s7, $0x1;
	s4 =	sadd.s32 s20, s19  }
0xa2: {  	s8 =	simm.s32 $0x0;
	s21 =	sshll.u32 s6, $0x1;
	s6 =	sadd.s32 s22, s4  }
0xa3: {  	[timem:s8], [sflag:s23] =	dma.local [hbm:s6], s21  }
0xa4: {  	_ =	swait.ge [sflag:s23], s21  }
0xa5: {  	s5 =	ssub.s32 $0x0, s21;
	[sflag:s23] =	ssyncset.done $0x0  }
0xa6: {  	[sflag:s23] =	ssyncadd.s32 s5;
	_ =	sdelay $0x1  }
0xa7: {  	s24 =	simm.s32 $0x1B8B  }
0xa8: {  	_ =	swait.ge [sflag:s24], $0x1  }
0xa9: {  	[sflag:s24] =	ssyncset.done $0x0  }
0xaa: {  	s25 =	simm.s32 $0x1B8E;
	[sflag:s24] =	ssyncadd.s32 $0xFFFFFFFF  }
0xab: {  	s26 =	simm.s32 $execute0_lowered;
	[smem:$0x3FD2] =	sst s25  }
0xac: {  	s5 =	sshll.u32 s26, $0x1;
	_ =	strace $0x80000046;
	[dreg:$0x1] =	wrdreg $0xFFFFFFFF  }
0xad: {  	s28 =	simm.s32 $_size_execute0_lowered;
	s4 =	sadd.s32 s4, s5;
	[dreg:$0x0] =	wrdreg $0x0  }
0xae: {  	s5 =	sshll.u32 s28, $0x1;
	[dreg:$0x2] =	wrdreg s4  }
0xaf: {  	[dreg:$0x3] =	wrdreg s5  }
0xb0: {  	[dreg:$0x4] =	wrdreg $0xC0  }
0xb1: {  	_ =	task [dreg:s8], $0x5FFFF  }
0xb2: {  	[dreg:$0x1] =	wrdreg $0xFFFFFFFF  }
0xb3: {  	[dreg:$0x0] =	wrdreg $0x60  }
0xb4: {  	[dreg:$0x2] =	wrdreg s16  }
0xb5: {  	[dreg:$0x3] =	wrdreg s17  }
0xb6: {  	[dreg:$0x4] =	wrdreg $0x9  }
0xb7: {  	_ =	task.clear_ibuf [dreg:s8], $0x5FFFF;
	_ =	strace $0x90000046  }
0xb8: {  	s29 =	simm.s32 $0x9;
	_ =	strace $0x80000048  }
0xb9: {  	_ =	swait.ge [sflag:s29], $0x1  }
0xba: {  	[sflag:s29] =	ssyncadd.s32 $0xFFFFFFFF  }
0xbb: {  	_ =	strace $0x90000048  }
0xbc: {  	_ =	sfence  }
0xbd: {  	s30 =	sld [smem:$0x0];
	_ =	sdelay $0x2  }
0xbe: {  	s31 =	sshll.u32 s1, $0xD;
	s1 =	sshrl.u32 s1, $0x2  }
0xbf: {  	s3 =	sand.u32 $0x4000, s31;
	s1 =	sadd.s32 s1, s30  }
0xc0: {  	s0 =	sor.u32 s3, s0;
	s1 =	sshll.u32 s1, $0x11  }
0xc1: {  	s0 =	sor.u32 s1, s0  }
0xc2: {  	s0 =	sadd.s32 $0x8F2B, s0  }
0xc3: {  	[sflag:s0] =	ssyncadd.remote.s32 $0x1  }
0xc4: {  	_ =	sfence.sel $0xFFFF  }
0xc5: {  	[dreg:$0x0] =	wrdreg $0xFFFFFFFF;
	(pc) =	sbr.abs _section_cstart, $3  }
0xc6: {  	[dreg:$0x1] =	wrdreg $0xFFFFFFFF  }
0xc7: {  	_ =	task.clear_ibuf [dreg:s8], $0x2FFFF;
	_ =	strace $0x9FFFFFFF  }
0xc8: {  	(tm) =	ssettm $0x7FFFFFFF  }
0xc9: {  	_ =	shalt  }
tec
execute0_lowered:
.L_overlay_start_1:
0x0: {  	(tag) =	ssettag $0x1  }
0x1: {  	s1 =	rddreg [dreg:$0x0]  }
0x2: {  	s0 =	srdreg.scid;
	s4 =	rddreg [dreg:$0x1]  }
0x3: {  	s21 =	stileid.u32;
	s22 =	rddreg [dreg:$0x2]  }
0x4: {  	s3 =	simm.s32 $0x0;
	s18 =	simm.s32 $0x3000;
	s20 =	simm.s32 $0xC3800  }
0x5: {  	s19 =	simm.s32 $0x1;
	p2 =	por $0x0, $0x0;
	s0 =	sand.u32 $0x1, s0  }
0x6: {  	s2 =	sshll.u32 s21, $0x1;
	[smem:$0x7FF] =	sst s3;
	s29 =	sadd.s32 $0x18600, s1  }
0x7: {  	s31 =	sadd.s32 $0x18000, s4;
	s2 =	sor.u32 s0, s2;
	_ =	strace $0x80000047  }
0x8: {  	s0 =	ssub.s32 $0x2, s0;
	[dreg:$0x8] =	wrdreg s31;
	s5 =	smul.u32 $0x600, s2  }
0x9: {  	s6 =	smul.u32 $0x3000, s2;
	s26 =	sshrl.u32 s0, $0x1;
	p0 =	seq.s32 s2, $0x1F  }
0xa: {  	s0 =	ssub.s32 s0, s26;
	s23 =	sadd.s32 @p0 $0x30E00, s29;
	s25 =	sadd.s32 @p0 $0x49500, s29  }
0xb: {  	s26 =	sadd.s32 @p0 $0x61C00, s29;
	s17 =	sadd.s32 @p0 $0x7A300, s29;
	s12 =	sadd.s32 @p0 $0x92A00, s29  }
0xc: {  	s11 =	sadd.s32 @p0 $0xAB100, s29;
	p1 =	sne.s32 @!p0 s2, $0x0;
	s7 =	sadd.s32 s1, s5  }
0xd: {  	s6 =	sshrl.u32 s6, $0x3;
	s5 =	sadd.s32 s4, s5;
	s0 =	smax.u32 s0, $0x1  }
0xe: {  	p1 =	por p1, p0;
	[dreg:$0x3] =	wrdreg s7;
	s6 =	sadd.s32 $0xC000, s6  }
0xf: {  	s7 =	sadd.s32 $0x18600, s4;
	s30 =	sadd.s32 s4, s6;
	s4 =	sadd.s32 $0xFFFFFFFF, s0  }
0x10: {  	[dreg:$0x4] =	wrdreg s5;
	s28 =	sadd.s32 s1, s6;
	p3 =	sne.s32 s4, $0x0  }
.Ltmp0:
0x11: {  	s1 =	sadd.s32 $0x18000, s1;
	s5 =	rddreg [dreg:$0x3];
	(pc) =	sbr.rel @!p3 .LBB2_1-.Ltmp0, $4  }
0x12: {  	s6 =	sadd.s32 @p0 $0x18700, s7;
	s8 =	sadd.s32 @p0 $0x30E00, s7;
	[dreg:$0x5] =	wrdreg s28  }
0x13: {  	s10 =	sadd.s32 @p0 $0x49500, s7;
	s13 =	sadd.s32 @p0 $0x61C00, s7;
	[dreg:$0x6] =	wrdreg s30  }
0x14: {  	s14 =	sadd.s32 @p0 $0x7A300, s7;
	[dreg:$0x7] =	wrdreg s1;
	s1 =	sadd.s32 @p0 $0x18700, s29  }
0x15: {  	s15 =	sadd.s32 @p0 $0x92A00, s7;
	s16 =	sadd.s32 @p0 $0xAB100, s7;
	[dreg:$0x9] =	wrdreg s1  }
0x16: {  	[tilespmem:s3], [sflag:$0x1] =	stream.strided.gather [hbm4b:s5+s18], $0x18000, s20, s18, $0x38;
	[tilespmem:$0x18000] =	vst v63  }
0x17: {  	_ =	swait.ge [sflag:s19], $0x18000  }
0x18: {  	[sflag:s19] =	ssyncset.done $0x0  }
0x19: {  	s0 =	rddreg [dreg:$0x4];
	[sflag:s19] =	ssyncadd.s32 $0xFFFE8000  }
0x1a: {  	[hbm4b:s0+s18] =	stream.strided.scatter [tilespmem:s3], [sflag:$0x1], $0x18000, s20, s18, $0x38;
	[tilespmem:$0x18000] =	vst v63  }
0x1b: {  	_ =	swait.ge [sflag:s19], $0x18000  }
0x1c: {  	[sflag:s19] =	ssyncset.done $0x0  }
0x1d: {  	s22 =	rddreg [dreg:$0x5];
	[sflag:s19] =	ssyncadd.s32 $0xFFFE8000  }
0x1e: {  	[tilespmem:s3], [sflag:$0x1] =	stream.strided.gather [hbm4b:s22+s18], $0x18000, s20, s18, $0x38;
	[tilespmem:$0x18000] =	vst v63  }
0x1f: {  	_ =	swait.ge [sflag:s19], $0x18000  }
0x20: {  	[sflag:s19] =	ssyncset.done $0x0  }
0x21: {  	s24 =	rddreg [dreg:$0x6];
	[sflag:s19] =	ssyncadd.s32 $0xFFFE8000  }
0x22: {  	[hbm4b:s24+s18] =	stream.strided.scatter [tilespmem:s3], [sflag:$0x1], $0x18000, s20, s18, $0x38;
	[tilespmem:$0x18000] =	vst v63  }
0x23: {  	_ =	swait.ge [sflag:s19], $0x18000  }
0x24: {  	[sflag:s19] =	ssyncset.done $0x0  }
0x25: {  	s21 =	simm.s32 @p0 $0x0;
	[sflag:s19] =	ssyncadd.s32 $0xFFFE8000  }
0x26: {  	[tilespmem:s21], [sflag:$0x1] =	stream.linear.gather @p0 [hbm4b:s29+s21], $0x400, $0x38;
	[tilespmem:$0x18000] =	vst v63  }
0x27: {  	s1 =	simm.s32 @p0 $0x3000;
	s0 =	rddreg [dreg:$0x9]  }
0x28: {  	[tilespmem:s1], [sflag:$0x1] =	stream.linear.gather @p0 [hbm4b:s0+s21], $0x400, $0x38;
	[tilespmem:$0x18000] =	vst v63  }
0x29: {  	s9 =	simm.s32 @p0 $0x6000  }
0x2a: {  	[tilespmem:s9], [sflag:$0x1] =	stream.linear.gather @p0 [hbm4b:s23+s21], $0x400, $0x38;
	[tilespmem:$0x18000] =	vst v63  }
0x2b: {  	s24 =	simm.s32 @p0 $0x9000  }
0x2c: {  	[tilespmem:s24], [sflag:$0x1] =	stream.linear.gather @p0 [hbm4b:s25+s21], $0x400, $0x38;
	[tilespmem:$0x18000] =	vst v63  }
0x2d: {  	[dreg:$0xa] =	wrdreg s25;
	s25 =	simm.s32 @p0 $0xC000  }
0x2e: {  	[tilespmem:s25], [sflag:$0x1] =	stream.linear.gather @p0 [hbm4b:s26+s21], $0x400, $0x38;
	[tilespmem:$0x18000] =	vst v63  }
0x2f: {  	[dreg:$0xb] =	wrdreg s26;
	s26 =	simm.s32 @p0 $0xF000  }
0x30: {  	[tilespmem:s26], [sflag:$0x1] =	stream.linear.gather @p0 [hbm4b:s17+s21], $0x400, $0x38;
	[tilespmem:$0x18000] =	vst v63  }
0x31: {  	s28 =	simm.s32 @p0 $0x12000  }
0x32: {  	[tilespmem:s28], [sflag:$0x1] =	stream.linear.gather @p0 [hbm4b:s12+s21], $0x400, $0x38;
	[tilespmem:$0x18000] =	vst v63  }
0x33: {  	s30 =	simm.s32 @p0 $0x1;
	[dreg:$0xc] =	wrdreg s29;
	s29 =	simm.s32 @p0 $0x15000  }
0x34: {  	[tilespmem:s29], [sflag:$0x1] =	stream.linear.gather @p0 [hbm4b:s11+s21], $0x400, $0x38;
	[tilespmem:$0x18000] =	vst v63  }
0x35: {  	_ =	swait.ge @p0 [sflag:s30], $0x2000  }
0x36: {  	[sflag:s30] =	ssyncset.done @p0 $0x0  }
0x37: {  	[sflag:s30] =	ssyncadd.s32 @p0 $0xFFFFE000  }
0x38: {  	[hbm4b:s7+s21] =	stream.linear.scatter @p0 [tilespmem:s21], [sflag:$0x1], $0x400, $0x38;
	[tilespmem:$0x18000] =	vst v63  }
0x39: {  	_ = 	snop  }
0x3a: {  	[hbm4b:s6+s21] =	stream.linear.scatter @p0 [tilespmem:s1], [sflag:$0x1], $0x400, $0x38;
	[tilespmem:$0x18000] =	vst v63  }
0x3b: {  	_ = 	snop  }
0x3c: {  	[hbm4b:s8+s21] =	stream.linear.scatter @p0 [tilespmem:s9], [sflag:$0x1], $0x400, $0x38;
	[tilespmem:$0x18000] =	vst v63  }
0x3d: {  	_ = 	snop  }
0x3e: {  	[hbm4b:s10+s21] =	stream.linear.scatter @p0 [tilespmem:s24], [sflag:$0x1], $0x400, $0x38;
	[tilespmem:$0x18000] =	vst v63  }
0x3f: {  	_ = 	snop  }
0x40: {  	[hbm4b:s13+s21] =	stream.linear.scatter @p0 [tilespmem:s25], [sflag:$0x1], $0x400, $0x38;
	[tilespmem:$0x18000] =	vst v63  }
0x41: {  	_ = 	snop  }
0x42: {  	[hbm4b:s14+s21] =	stream.linear.scatter @p0 [tilespmem:s26], [sflag:$0x1], $0x400, $0x38;
	[tilespmem:$0x18000] =	vst v63  }
0x43: {  	_ = 	snop  }
0x44: {  	[hbm4b:s15+s21] =	stream.linear.scatter @p0 [tilespmem:s28], [sflag:$0x1], $0x400, $0x38;
	[tilespmem:$0x18000] =	vst v63  }
0x45: {  	_ = 	snop  }
0x46: {  	[hbm4b:s16+s21] =	stream.linear.scatter @p0 [tilespmem:s29], [sflag:$0x1], $0x400, $0x38;
	[tilespmem:$0x18000] =	vst v63  }
0x47: {  	s31 =	simm.s32 @!p1 $0x1;
	s2 =	simm.s32 @!p1 $0xC3800;
	_ =	swait.ge @p0 [sflag:s30], $0x2000  }
0x48: {  	s4 =	sadd.s32 $0xFFFFFFFF, s4;
	s0 =	simm.s32 @!p1 $0x3000;
	[sflag:s30] =	ssyncset.done @p0 $0x0  }
0x49: {  	s1 =	simm.s32 @!p1 $0x0;
	s5 =	rddreg [dreg:$0x7];
	[sflag:s30] =	ssyncadd.s32 @p0 $0xFFFFE000  }
0x4a: {  	[tilespmem:s1], [sflag:$0x1] =	stream.strided.gather @!p1 [hbm4b:s5+s0], $0x18000, s2, s0, $0x38;
	[tilespmem:$0x18000] =	vst v63  }
0x4b: {  	p3 =	sne.s32 s4, $0x0;
	_ =	swait.ge @!p1 [sflag:s31], $0x18000  }
.Ltmp1:
0x4c: {  	[sflag:s31] =	ssyncset.done @!p1 $0x0;
	(pc) =	sbr.rel @!p3 .LBB2_3-.Ltmp1, $4  }
0x4d: {  	s5 =	rddreg [dreg:$0x8];
	[sflag:s31] =	ssyncadd.s32 @!p1 $0xFFFE8000  }
0x4e: {  	[hbm4b:s5+s0] =	stream.strided.scatter @!p1 [tilespmem:s1], [sflag:$0x1], $0x18000, s2, s0, $0x38;
	[tilespmem:$0x18000] =	vst v63  }
0x4f: {  	_ =	swait.ge @!p1 [sflag:s31], $0x18000  }
0x50: {  	p2 =	por $0x1, $0x1;
	s5 =	rddreg [dreg:$0x3];
	[sflag:s31] =	ssyncset.done @!p1 $0x0  }
.LBB2_4:
0x51: {  	[sflag:s31] =	ssyncadd.s32 @!p1 $0xFFFE8000  }
0x52: {  	[tilespmem:s3], [sflag:$0x1] =	stream.strided.gather [hbm4b:s5+s18], $0x18000, s20, s18, $0x38;
	[tilespmem:$0x18000] =	vst v63  }
0x53: {  	_ =	swait.ge [sflag:s19], $0x18000  }
0x54: {  	[sflag:s19] =	ssyncset.done $0x0  }
0x55: {  	s22 =	rddreg [dreg:$0x4];
	[sflag:s19] =	ssyncadd.s32 $0xFFFE8000  }
0x56: {  	[hbm4b:s22+s18] =	stream.strided.scatter [tilespmem:s3], [sflag:$0x1], $0x18000, s20, s18, $0x38;
	[tilespmem:$0x18000] =	vst v63  }
0x57: {  	_ =	swait.ge [sflag:s19], $0x18000  }
0x58: {  	[sflag:s19] =	ssyncset.done $0x0  }
0x59: {  	s22 =	rddreg [dreg:$0x5];
	[sflag:s19] =	ssyncadd.s32 $0xFFFE8000  }
0x5a: {  	[tilespmem:s3], [sflag:$0x1] =	stream.strided.gather [hbm4b:s22+s18], $0x18000, s20, s18, $0x38;
	[tilespmem:$0x18000] =	vst v63  }
0x5b: {  	_ =	swait.ge [sflag:s19], $0x18000  }
0x5c: {  	[sflag:s19] =	ssyncset.done $0x0  }
0x5d: {  	s22 =	rddreg [dreg:$0x6];
	[sflag:s19] =	ssyncadd.s32 $0xFFFE8000  }
0x5e: {  	[hbm4b:s22+s18] =	stream.strided.scatter [tilespmem:s3], [sflag:$0x1], $0x18000, s20, s18, $0x38;
	[tilespmem:$0x18000] =	vst v63  }
0x5f: {  	_ =	swait.ge [sflag:s19], $0x18000  }
0x60: {  	[sflag:s19] =	ssyncset.done $0x0  }
0x61: {  	s22 =	rddreg [dreg:$0xc];
	[sflag:s19] =	ssyncadd.s32 $0xFFFE8000  }
0x62: {  	[tilespmem:s21], [sflag:$0x1] =	stream.linear.gather @p0 [hbm4b:s22+s21], $0x400, $0x38;
	[tilespmem:$0x18000] =	vst v63  }
0x63: {  	s5 =	rddreg [dreg:$0x9];
	s22 =	simm.s32 @p0 $0x3000  }
0x64: {  	[tilespmem:s22], [sflag:$0x1] =	stream.linear.gather @p0 [hbm4b:s5+s21], $0x400, $0x38;
	[tilespmem:$0x18000] =	vst v63  }
0x65: {  	_ = 	snop  }
0x66: {  	[tilespmem:s9], [sflag:$0x1] =	stream.linear.gather @p0 [hbm4b:s23+s21], $0x400, $0x38;
	[tilespmem:$0x18000] =	vst v63  }
0x67: {  	s5 =	rddreg [dreg:$0xa]  }
0x68: {  	[tilespmem:s24], [sflag:$0x1] =	stream.linear.gather @p0 [hbm4b:s5+s21], $0x400, $0x38;
	[tilespmem:$0x18000] =	vst v63  }
0x69: {  	s5 =	rddreg [dreg:$0xb]  }
0x6a: {  	[tilespmem:s25], [sflag:$0x1] =	stream.linear.gather @p0 [hbm4b:s5+s21], $0x400, $0x38;
	[tilespmem:$0x18000] =	vst v63  }
0x6b: {  	_ = 	snop  }
0x6c: {  	[tilespmem:s26], [sflag:$0x1] =	stream.linear.gather @p0 [hbm4b:s17+s21], $0x400, $0x38;
	[tilespmem:$0x18000] =	vst v63  }
0x6d: {  	_ = 	snop  }
0x6e: {  	[tilespmem:s28], [sflag:$0x1] =	stream.linear.gather @p0 [hbm4b:s12+s21], $0x400, $0x38;
	[tilespmem:$0x18000] =	vst v63  }
0x6f: {  	_ = 	snop  }
0x70: {  	[tilespmem:s29], [sflag:$0x1] =	stream.linear.gather @p0 [hbm4b:s11+s21], $0x400, $0x38;
	[tilespmem:$0x18000] =	vst v63  }
0x71: {  	_ =	swait.ge @p0 [sflag:s30], $0x2000  }
0x72: {  	[sflag:s30] =	ssyncset.done @p0 $0x0  }
0x73: {  	[sflag:s30] =	ssyncadd.s32 @p0 $0xFFFFE000  }
0x74: {  	[hbm4b:s7+s21] =	stream.linear.scatter @p0 [tilespmem:s21], [sflag:$0x1], $0x400, $0x38;
	[tilespmem:$0x18000] =	vst v63  }
0x75: {  	_ = 	snop  }
0x76: {  	[hbm4b:s6+s21] =	stream.linear.scatter @p0 [tilespmem:s22], [sflag:$0x1], $0x400, $0x38;
	[tilespmem:$0x18000] =	vst v63  }
0x77: {  	_ = 	snop  }
0x78: {  	[hbm4b:s8+s21] =	stream.linear.scatter @p0 [tilespmem:s9], [sflag:$0x1], $0x400, $0x38;
	[tilespmem:$0x18000] =	vst v63  }
0x79: {  	_ = 	snop  }
0x7a: {  	[hbm4b:s10+s21] =	stream.linear.scatter @p0 [tilespmem:s24], [sflag:$0x1], $0x400, $0x38;
	[tilespmem:$0x18000] =	vst v63  }
0x7b: {  	_ = 	snop  }
0x7c: {  	[hbm4b:s13+s21] =	stream.linear.scatter @p0 [tilespmem:s25], [sflag:$0x1], $0x400, $0x38;
	[tilespmem:$0x18000] =	vst v63  }
0x7d: {  	_ = 	snop  }
0x7e: {  	[hbm4b:s14+s21] =	stream.linear.scatter @p0 [tilespmem:s26], [sflag:$0x1], $0x400, $0x38;
	[tilespmem:$0x18000] =	vst v63  }
0x7f: {  	_ = 	snop  }
0x80: {  	[hbm4b:s15+s21] =	stream.linear.scatter @p0 [tilespmem:s28], [sflag:$0x1], $0x400, $0x38;
	[tilespmem:$0x18000] =	vst v63  }
0x81: {  	_ = 	snop  }
0x82: {  	[hbm4b:s16+s21] =	stream.linear.scatter @p0 [tilespmem:s29], [sflag:$0x1], $0x400, $0x38;
	[tilespmem:$0x18000] =	vst v63  }
0x83: {  	_ =	swait.ge @p0 [sflag:s30], $0x2000  }
0x84: {  	[sflag:s30] =	ssyncset.done @p0 $0x0  }
0x85: {  	s4 =	sadd.s32 $0xFFFFFFFF, s4;
	s5 =	rddreg [dreg:$0x7];
	[sflag:s30] =	ssyncadd.s32 @p0 $0xFFFFE000  }
0x86: {  	[tilespmem:s1], [sflag:$0x1] =	stream.strided.gather @!p1 [hbm4b:s5+s0], $0x18000, s2, s0, $0x38;
	[tilespmem:$0x18000] =	vst v63  }
0x87: {  	p3 =	sne.s32 s4, $0x0;
	_ =	swait.ge @!p1 [sflag:s31], $0x18000  }
.Ltmp2:
0x88: {  	[sflag:s31] =	ssyncset.done @!p1 $0x0;
	(pc) =	sbr.rel @p3 .LBB2_4-.Ltmp2, $4  }
0x89: {  	s5 =	rddreg [dreg:$0x8];
	[sflag:s31] =	ssyncadd.s32 @!p1 $0xFFFE8000  }
0x8a: {  	[hbm4b:s5+s0] =	stream.strided.scatter @!p1 [tilespmem:s1], [sflag:$0x1], $0x18000, s2, s0, $0x38;
	[tilespmem:$0x18000] =	vst v63  }
0x8b: {  	_ =	swait.ge @!p1 [sflag:s31], $0x18000  }
0x8c: {  	s5 =	rddreg [dreg:$0x3];
	[sflag:s31] =	ssyncset.done @!p1 $0x0  }
0x8d: {  	s22 =	rddreg [dreg:$0x2]  }
0x8e: {  	s29 =	rddreg [dreg:$0xc]  }
0x8f: {  	s24 =	smov.u32 s14;
	s26 =	rddreg [dreg:$0xb]  }
0x90: {  	s28 =	smov.u32 s6;
	s21 =	stileid.u32;
	s25 =	rddreg [dreg:$0xa]  }
.LBB2_6:
0x91: {  	p2 =	por p1, !p2  }
0x92: {  	[sflag:s31] =	ssyncadd.s32 @!p2 $0xFFFE8000  }
0x93: {  	[tilespmem:s3], [sflag:$0x1] =	stream.strided.gather [hbm4b:s5+s18], $0x18000, s20, s18, $0x38;
	[tilespmem:$0x18000] =	vst v63  }
0x94: {  	_ =	swait.ge [sflag:s19], $0x18000  }
0x95: {  	[sflag:s19] =	ssyncset.done $0x0  }
0x96: {  	s0 =	rddreg [dreg:$0x4];
	[sflag:s19] =	ssyncadd.s32 $0xFFFE8000  }
0x97: {  	[hbm4b:s0+s18] =	stream.strided.scatter [tilespmem:s3], [sflag:$0x1], $0x18000, s20, s18, $0x38;
	[tilespmem:$0x18000] =	vst v63  }
0x98: {  	_ =	swait.ge [sflag:s19], $0x18000  }
0x99: {  	[sflag:s19] =	ssyncset.done $0x0  }
0x9a: {  	s30 =	rddreg [dreg:$0x5];
	[sflag:s19] =	ssyncadd.s32 $0xFFFE8000  }
0x9b: {  	[tilespmem:s3], [sflag:$0x1] =	stream.strided.gather [hbm4b:s30+s18], $0x18000, s20, s18, $0x38;
	[tilespmem:$0x18000] =	vst v63  }
0x9c: {  	_ =	swait.ge [sflag:s19], $0x18000  }
0x9d: {  	[sflag:s19] =	ssyncset.done $0x0  }
0x9e: {  	s31 =	rddreg [dreg:$0x6];
	[sflag:s19] =	ssyncadd.s32 $0xFFFE8000  }
0x9f: {  	[hbm4b:s31+s18] =	stream.strided.scatter [tilespmem:s3], [sflag:$0x1], $0x18000, s20, s18, $0x38;
	[tilespmem:$0x18000] =	vst v63  }
0xa0: {  	_ =	swait.ge [sflag:s19], $0x18000  }
0xa1: {  	[sflag:s19] =	ssyncset.done $0x0  }
0xa2: {  	s0 =	simm.s32 @p0 $0x0;
	[sflag:s19] =	ssyncadd.s32 $0xFFFE8000  }
0xa3: {  	[tilespmem:s0], [sflag:$0x1] =	stream.linear.gather @p0 [hbm4b:s29+s0], $0x400, $0x38;
	[tilespmem:$0x18000] =	vst v63  }
0xa4: {  	s2 =	simm.s32 @p0 $0x3000;
	s1 =	rddreg [dreg:$0x9]  }
0xa5: {  	[tilespmem:s2], [sflag:$0x1] =	stream.linear.gather @p0 [hbm4b:s1+s0], $0x400, $0x38;
	[tilespmem:$0x18000] =	vst v63  }
0xa6: {  	s1 =	simm.s32 @p0 $0x6000  }
0xa7: {  	[tilespmem:s1], [sflag:$0x1] =	stream.linear.gather @p0 [hbm4b:s23+s0], $0x400, $0x38;
	[tilespmem:$0x18000] =	vst v63  }
0xa8: {  	s3 =	simm.s32 @p0 $0x9000  }
0xa9: {  	[tilespmem:s3], [sflag:$0x1] =	stream.linear.gather @p0 [hbm4b:s25+s0], $0x400, $0x38;
	[tilespmem:$0x18000] =	vst v63  }
0xaa: {  	s4 =	simm.s32 @p0 $0xC000  }
0xab: {  	[tilespmem:s4], [sflag:$0x1] =	stream.linear.gather @p0 [hbm4b:s26+s0], $0x400, $0x38;
	[tilespmem:$0x18000] =	vst v63  }
0xac: {  	s5 =	simm.s32 @p0 $0xF000  }
0xad: {  	[tilespmem:s5], [sflag:$0x1] =	stream.linear.gather @p0 [hbm4b:s17+s0], $0x400, $0x38;
	[tilespmem:$0x18000] =	vst v63  }
0xae: {  	s6 =	simm.s32 @p0 $0x12000  }
0xaf: {  	[tilespmem:s6], [sflag:$0x1] =	stream.linear.gather @p0 [hbm4b:s12+s0], $0x400, $0x38;
	[tilespmem:$0x18000] =	vst v63  }
0xb0: {  	s9 =	simm.s32 @p0 $0x15000;
	s14 =	simm.s32 @p0 $0x1  }
0xb1: {  	[tilespmem:s9], [sflag:$0x1] =	stream.linear.gather @p0 [hbm4b:s11+s0], $0x400, $0x38;
	[tilespmem:$0x18000] =	vst v63  }
0xb2: {  	_ =	swait.ge @p0 [sflag:s14], $0x2000  }
0xb3: {  	[sflag:s14] =	ssyncset.done @p0 $0x0  }
0xb4: {  	[sflag:s14] =	ssyncadd.s32 @p0 $0xFFFFE000  }
0xb5: {  	[hbm4b:s7+s0] =	stream.linear.scatter @p0 [tilespmem:s0], [sflag:$0x1], $0x400, $0x38;
	[tilespmem:$0x18000] =	vst v63  }
0xb6: {  	_ = 	snop  }
0xb7: {  	[hbm4b:s28+s0] =	stream.linear.scatter @p0 [tilespmem:s2], [sflag:$0x1], $0x400, $0x38;
	[tilespmem:$0x18000] =	vst v63  }
0xb8: {  	_ = 	snop  }
0xb9: {  	[hbm4b:s8+s0] =	stream.linear.scatter @p0 [tilespmem:s1], [sflag:$0x1], $0x400, $0x38;
	[tilespmem:$0x18000] =	vst v63  }
0xba: {  	_ = 	snop  }
0xbb: {  	[hbm4b:s10+s0] =	stream.linear.scatter @p0 [tilespmem:s3], [sflag:$0x1], $0x400, $0x38;
	[tilespmem:$0x18000] =	vst v63  }
0xbc: {  	_ = 	snop  }
0xbd: {  	[hbm4b:s13+s0] =	stream.linear.scatter @p0 [tilespmem:s4], [sflag:$0x1], $0x400, $0x38;
	[tilespmem:$0x18000] =	vst v63  }
0xbe: {  	_ = 	snop  }
0xbf: {  	[hbm4b:s24+s0] =	stream.linear.scatter @p0 [tilespmem:s5], [sflag:$0x1], $0x400, $0x38;
	[tilespmem:$0x18000] =	vst v63  }
0xc0: {  	_ = 	snop  }
0xc1: {  	[hbm4b:s15+s0] =	stream.linear.scatter @p0 [tilespmem:s6], [sflag:$0x1], $0x400, $0x38;
	[tilespmem:$0x18000] =	vst v63  }
0xc2: {  	_ = 	snop  }
0xc3: {  	[hbm4b:s16+s0] =	stream.linear.scatter @p0 [tilespmem:s9], [sflag:$0x1], $0x400, $0x38;
	[tilespmem:$0x18000] =	vst v63  }
0xc4: {  	s2 =	simm.s32 @!p1 $0x1;
	_ =	swait.ge @p0 [sflag:s14], $0x2000  }
0xc5: {  	s1 =	simm.s32 @!p1 $0x0;
	s3 =	simm.s32 @!p1 $0x3000;
	[sflag:s14] =	ssyncset.done @p0 $0x0  }
0xc6: {  	s4 =	simm.s32 @!p1 $0xC3800;
	s0 =	rddreg [dreg:$0x7];
	[sflag:s14] =	ssyncadd.s32 @p0 $0xFFFFE000  }
0xc7: {  	[tilespmem:s1], [sflag:$0x1] =	stream.strided.gather @!p1 [hbm4b:s0+s3], $0x18000, s4, s3, $0x38;
	[tilespmem:$0x18000] =	vst v63  }
0xc8: {  	_ =	swait.ge @!p1 [sflag:s2], $0x18000  }
0xc9: {  	[sflag:s2] =	ssyncset.done @!p1 $0x0  }
0xca: {  	s0 =	rddreg [dreg:$0x8];
	[sflag:s2] =	ssyncadd.s32 @!p1 $0xFFFE8000  }
0xcb: {  	[hbm4b:s0+s3] =	stream.strided.scatter @!p1 [tilespmem:s1], [sflag:$0x1], $0x18000, s4, s3, $0x38;
	[tilespmem:$0x18000] =	vst v63  }
0xcc: {  	_ =	swait.ge @!p1 [sflag:s2], $0x18000  }
0xcd: {  	[sflag:s2] =	ssyncset.done @!p1 $0x0  }
0xce: {  	[sflag:s2] =	ssyncadd.s32 @!p1 $0xFFFE8000  }
0xcf: {  	_ =	sfence.sel $0x180000  }
0xd0: {  	[bflag:$0x0] =	sbarrier.arrive $0xFFFF  }
0xd1: {  	p0 =	sne.s32 s21, $0x0;
	_ =	strace $0x90000047  }
0xd2: {  	s0 =	sadd.s32 @!p0 $0x100000, s22;
	[bflag:$0x2] =	sbarrier.arrive $0xFFFF  }
0xd3: {  	[sflag:s0] =	ssyncadd.tile.s32 @!p0 $0x1;
	_ =	shalt  }
.LBB2_1:
.Ltmp3:
0xd4: {  	(pc) =	sbr.rel .LBB2_6-.Ltmp3, $2  }
0xd5: {  	_ =	sdelay $0x2  }
0xd6: {  	s24 =	smov.u32 s14;
	s28 =	smov.u32 s6  }
.LBB2_3:
.Ltmp4:
0xd7: {  	(pc) =	sbr.rel .LBB2_6-.Ltmp4, $4  }
0xd8: {  	s22 =	rddreg [dreg:$0x2]  }
0xd9: {  	s29 =	rddreg [dreg:$0xc]  }
0xda: {  	s24 =	smov.u32 s14;
	s26 =	rddreg [dreg:$0xb]  }
0xdb: {  	s28 =	smov.u32 s6;
	s21 =	stileid.u32;
	s25 =	rddreg [dreg:$0xa]  }
.Lfunc_end2:
_tile_overlayer_lowered:
.L_overlay_start_2:
0xdc: {  	(tag) =	ssettag $0x2  }
0xdd: {  	s0 =	rddreg [dreg:$0x0];
	s2 =	stileid.u32  }
0xde: {  	s1 =	rddreg [dreg:$0x1];
	p0 =	sne.s32 s2, $0x0  }
0xdf: {  	s3 =	rddreg [dreg:$0x2];
	[bflag:$0x3] =	sbarrier.arrive $0xFFFF;
	s2 =	simm.s32 @!p0 $0x1C01  }
0xe0: {  	[timem:s3], [sflag:s2] =	dma.local @!p0 [hbm:s0], s1  }
0xe1: {  	s0 =	simm.s32 @!p0 $0x1  }
0xe2: {  	_ =	swait.ge @!p0 [sflag:s0], s1  }
0xe3: {  	s1 =	ssub.s32 @!p0 $0x0, s1;
	[sflag:s0] =	ssyncset.done @!p0 $0x0  }
0xe4: {  	[sflag:s0] =	ssyncadd.s32 @!p0 s1  }
0xe5: {  	[bflag:$0x3] =	sbarrier.arrive $0xFFFF  }
0xe6: {  	_ =	shalt  }

</sc_bundles>
